<compile_context>
chip_gen: v7x
topology: tpu7x:2x2x1
jax: 0.10.2.dev20260603
libtpu: 0.0.44.dev20260713+nightly
codegen_flags: <defaults>
</compile_context>

<pallas_src>
import functools

import jax
import jax.numpy as jnp
from jax import lax
from jax.experimental import pallas as pl
from jax.experimental.pallas import tpu as pltpu
from jax.experimental.pallas import tpu_sc as plsc

NUM_PID = 5532
THRESHOLD = 0.2
LUT_DIM = 256
BATCH = 16384

A_BLK = 1024
A_GRID = (NUM_PID + A_BLK - 1) // A_BLK
NP_PAD = A_GRID * A_BLK

B_BLK = 512
B_NSTREAM = 2
B_GRID = BATCH // (B_BLK * B_NSTREAM)
B_HALF_BLOCKS = BATCH // (B_BLK * B_NSTREAM)

SC_CORES = 2
SC_SUBCORES = 16
SC_LANES = 16
SC_WORKERS = SC_CORES * SC_SUBCORES
B_PER_W = BATCH // SC_WORKERS


def _simmax_kernel(lut_blk_ref, lut_full_ref, maxval_ref, maxind_ref):
    i = pl.program_id(0)
    sim = jax.lax.dot_general(
        lut_blk_ref[...], lut_full_ref[...],
        (((1,), (1,)), ((), ())),
        preferred_element_type=jnp.float32,
    )
    row = i * A_BLK + lax.broadcasted_iota(jnp.int32, (A_BLK, NUM_PID), 0)
    col = lax.broadcasted_iota(jnp.int32, (A_BLK, NUM_PID), 1)
    sim = jnp.where(col == row, 0.0, sim)
    m = jnp.max(sim, axis=1)
    ind = jnp.min(jnp.where(sim == m[:, None], col, NUM_PID), axis=1)
    maxval_ref[...] = m
    maxind_ref[...] = ind


def _sim_max_argmax(lut):
    return pl.pallas_call(
        _simmax_kernel,
        grid=(A_GRID,),
        in_specs=[
            pl.BlockSpec((A_BLK, LUT_DIM), lambda i: (i, 0)),
            pl.BlockSpec((NUM_PID, LUT_DIM), lambda i: (0, 0)),
        ],
        out_specs=[
            pl.BlockSpec((A_BLK,), lambda i: (i,)),
            pl.BlockSpec((A_BLK,), lambda i: (i,)),
        ],
        out_shape=[
            jax.ShapeDtypeStruct((NP_PAD,), jnp.float32),
            jax.ShapeDtypeStruct((NP_PAD,), jnp.int32),
        ],
    )(lut, lut)


def _killcol_sc_kernel(label_hbm, maxval_hbm, maxind_hbm, kill_hbm,
                       label_v, maxval_v, maxind_v, kill_v):
    wid = lax.axis_index("s") * SC_CORES + lax.axis_index("c")
    base = wid * B_PER_W
    pltpu.sync_copy(label_hbm.at[pl.ds(base, B_PER_W)], label_v)
    pltpu.sync_copy(maxval_hbm, maxval_v)
    pltpu.sync_copy(maxind_hbm, maxind_v)

    def body(j, _):
        off = j * SC_LANES
        lbl = label_v[pl.ds(off, SC_LANES)]
        g = jnp.minimum(lbl, NUM_PID - 1)
        val = plsc.load_gather(maxval_v, [g])
        ind = plsc.load_gather(maxind_v, [g])
        ignore = (lbl < NUM_PID) & (val > THRESHOLD)
        kill_v[pl.ds(off, SC_LANES)] = jnp.where(ignore, ind, -1)
        return 0

    lax.fori_loop(0, B_PER_W // SC_LANES, body, 0)
    pltpu.sync_copy(kill_v, kill_hbm.at[base // B_BLK, 0, pl.ds(base % B_BLK, B_PER_W)])


@functools.partial(jax.jit, static_argnames=())
def _kill_cols(label, maxval, maxind):
    mesh = plsc.VectorSubcoreMesh(core_axis_name="c", subcore_axis_name="s")
    k = pl.kernel(
        _killcol_sc_kernel,
        mesh=mesh,
        out_type=jax.ShapeDtypeStruct((BATCH // B_BLK, 1, B_BLK), jnp.int32),
        scratch_types=[
            pltpu.VMEM((B_PER_W,), jnp.int32),
            pltpu.VMEM((NP_PAD,), jnp.float32),
            pltpu.VMEM((NP_PAD,), jnp.int32),
            pltpu.VMEM((B_PER_W,), jnp.int32),
        ],
        compiler_params=pltpu.CompilerParams(needs_layout_passes=False),
    )
    return k(label, maxval, maxind)


def _stream_part(x, lbl, kill):
    col = lax.broadcasted_iota(jnp.int32, (B_BLK, NUM_PID), 1)
    xm = jnp.where(col == kill[:, None], 0.0, x)
    m = jnp.max(xm, axis=1)
    s = jnp.sum(jnp.exp(xm - m[:, None]), axis=1)
    g = jnp.minimum(lbl, NUM_PID - 1)
    picked = jnp.sum(jnp.where(col == g[:, None], xm, 0.0), axis=1)
    valid = (lbl < NUM_PID).astype(jnp.float32)
    per_row = (picked - m - jnp.log(s)) * valid
    return per_row.reshape(B_BLK // 128, 128), valid.reshape(B_BLK // 128, 128)


def _loss_kernel(logits0_ref, logits1_ref, label0_ref, label1_ref,
                 kill0_ref, kill1_ref, out_ref, loss_ref):
    i = pl.program_id(0)
    p0, c0 = _stream_part(logits0_ref[0], label0_ref[...],
                          kill0_ref[0, 0, :])
    p1, c1 = _stream_part(logits1_ref[0], label1_ref[...],
                          kill1_ref[0, 0, :])

    @pl.when(i == 0)
    def _():
        out_ref[...] = jnp.zeros_like(out_ref)

    h = B_BLK // 128
    out_ref[0:h, :] += p0 + p1
    out_ref[h:2 * h, :] += c0 + c1

    @pl.when(i == B_GRID - 1)
    def _():
        num = jnp.sum(out_ref[0:h, :])
        cnt = jnp.maximum(jnp.sum(out_ref[h:2 * h, :]), 1.0)
        loss_ref[...] = jnp.broadcast_to(-num / cnt, (8, 128))


def _stream_loss(logits, label, kill):
    kill3 = kill
    lg = logits.reshape(B_NSTREAM, BATCH // B_NSTREAM, NUM_PID)
    _, loss = pl.pallas_call(
        _loss_kernel,
        grid=(B_GRID,),
        in_specs=[
            pl.BlockSpec((1, B_BLK, NUM_PID), lambda i: (0, i, 0)),
            pl.BlockSpec((1, B_BLK, NUM_PID), lambda i: (1, i, 0)),
            pl.BlockSpec((B_BLK,), lambda i: (i,)),
            pl.BlockSpec((B_BLK,), lambda i: (i + B_GRID,)),
            pl.BlockSpec((1, 1, B_BLK), lambda i: (i, 0, 0)),
            pl.BlockSpec((1, 1, B_BLK), lambda i: (i + B_GRID, 0, 0)),
        ],
        out_specs=[
            pl.BlockSpec((2 * B_BLK // 128, 128), lambda i: (0, 0)),
            pl.BlockSpec((8, 128), lambda i: (0, 0)),
        ],
        out_shape=[
            jax.ShapeDtypeStruct((2 * B_BLK // 128, 128), jnp.float32),
            jax.ShapeDtypeStruct((8, 128), jnp.float32),
        ],
        compiler_params=pltpu.CompilerParams(
            vmem_limit_bytes=62 * 1024 * 1024),
    )(lg, lg, label, label, kill3, kill3)
    return loss


def kernel(logits, label, lut):
    label = label.astype(jnp.int32)
    maxval, maxind = _sim_max_argmax(lut)
    kill = _kill_cols(label, maxval, maxind)
    loss = _stream_loss(logits, label, kill)
    return loss[0, 0]

# --- scband reference (transcript-rebuilt; emitter-appended) ---
"""Pipeline reference for scband-weighted-cross-entropy2-50637664420266 (READ-ONLY COPY).

The authoritative reference and input builder live on the scoring server;
editing this copy changes nothing except your own understanding.
"""

import jax, jax.numpy as jnp
import numpy as np

NUM_PID = 5532
THRESHOLD = 0.2
LUT_DIM = 256
BATCH = 16384


def setup_inputs(seed: int = 0) -> dict:
    key = jax.random.key(seed)
    k1, k2, k3 = jax.random.split(key, 3)
    logits = jax.random.normal(k1, (BATCH, NUM_PID), dtype=jnp.float32)
    # labels in [0, NUM_PID]; value == NUM_PID means 'unlabeled' (ignore_index)
    label = jax.random.randint(k2, (BATCH,), 0, NUM_PID + 1)
    lut = jax.random.normal(k3, (NUM_PID, LUT_DIM), dtype=jnp.float32)
    lut = lut / jnp.linalg.norm(lut, axis=1, keepdims=True)
    return {"logits": logits, "label": label, "lut": lut}


def reference(logits, label, lut):
    num_pid = NUM_PID
    # __init__ precompute: similarity LUT with zeroed diagonal, rowwise max
    sim_mat = lut @ lut.T
    diag = jnp.arange(num_pid)
    sim_mat = sim_mat.at[diag, diag].set(0.0)
    max_val = jnp.max(sim_mat, axis=1)
    max_ind = jnp.argmax(sim_mat, axis=1)

    mask_labeled = label < num_pid
    clamped_label = jnp.minimum(label, num_pid - 1)
    val = jnp.take(max_val, clamped_label, axis=0)
    ind = jnp.take(max_ind, clamped_label, axis=0)
    # rand=False path: sim_ignore = val > threshold
    sim_ignore = val > THRESHOLD
    ignore = sim_ignore & mask_labeled

    B = logits.shape[0]
    rows = jnp.arange(B)
    mult = jnp.where(ignore, 0.0, 1.0).astype(logits.dtype)
    logits = logits.at[rows, ind].multiply(mult)

    log_logits = jax.nn.log_softmax(logits, axis=1)
    valid = (label != num_pid)
    gather_idx = jnp.minimum(label, num_pid - 1)
    picked = log_logits[rows, gather_idx]
    n_valid = jnp.maximum(jnp.sum(valid.astype(jnp.float32)), 1.0)
    loss = -jnp.sum(picked * valid.astype(log_logits.dtype)) / n_valid
    return loss

if __name__ == "__main__":
    import jax
    _d = setup_inputs()
    print(jax.jit(kernel)(*tuple(_d.values())))

</pallas_src>

<mosaic_0001>
#map = affine_map<(d0, d1) -> (0)>
#map1 = affine_map<(d0, d1) -> (0, 0, 0)>
module attributes {stable_mosaic.version = 14 : i64} {
  func.func @_killcol_sc_kernel(%arg0: i32, %arg1: i32, %arg2: memref<16384xi32, #tpu.memory_space<hbm>>, %arg3: memref<6144xf32, #tpu.memory_space<hbm>>, %arg4: memref<6144xi32, #tpu.memory_space<hbm>>, %arg5: memref<32x1x512xi32, #tpu.memory_space<hbm>>, %arg6: memref<512xi32, #tpu.memory_space<vmem>>, %arg7: memref<6144xf32, #tpu.memory_space<vmem>>, %arg8: memref<6144xi32, #tpu.memory_space<vmem>>, %arg9: memref<512xi32, #tpu.memory_space<vmem>>) attributes {dimension_semantics = [#tpu.dimension_semantics<core_parallel>, #tpu.dimension_semantics<subcore_parallel>], iteration_bounds = array<i64: 2, 16>, scalar_prefetch = 0 : i64, scratch_operands = 4 : i64, tpu.core_type = #tpu.core_type<sc_vector_subcore>, window_params = [{transform_indices = #map}, {transform_indices = #map}, {transform_indices = #map}, {transform_indices = #map1}]} {
    %mul3A = arith.constant 2 : i32
    %mul3A_0 = arith.muli %arg1, %mul3A : i32
    %add3A = arith.addi %mul3A_0, %arg0 : i32
    %mul3A_1 = arith.constant 512 : i32
    %mul3A_2 = arith.muli %add3A, %mul3A_1 : i32
    "tpu.region"() ({
      %run_scoped3A_39 = tpu.sem_alloc : memref<!tpu.dma_semaphore, #tpu.memory_space<semaphore_mem>>
      %dma_start3A = tpu.memref_slice %arg2[%mul3A_2] : memref<16384xi32, #tpu.memory_space<hbm>> -> memref<512xi32, #tpu.memory_space<hbm>>
      %dma_start3A_40 = tpu.memref_slice %arg2[%mul3A_2] : memref<16384xi32, #tpu.memory_space<hbm>> -> memref<512xi32, #tpu.memory_space<hbm>>
      tpu.enqueue_dma source(%dma_start3A_40 : memref<512xi32, #tpu.memory_space<hbm>>) target(%arg6 : memref<512xi32, #tpu.memory_space<vmem>>) target_semaphore(%run_scoped3A_39 : memref<!tpu.dma_semaphore, #tpu.memory_space<semaphore_mem>>)
      %dma_wait3A = tpu.memref_slice %arg2[%mul3A_2] : memref<16384xi32, #tpu.memory_space<hbm>> -> memref<512xi32, #tpu.memory_space<hbm>>
      %dma_wait3A_41 = tpu.memref_slice %arg2[%mul3A_2] : memref<16384xi32, #tpu.memory_space<hbm>> -> memref<512xi32, #tpu.memory_space<hbm>>
      tpu.wait_dma2 semaphore(%run_scoped3A_39 : memref<!tpu.dma_semaphore, #tpu.memory_space<semaphore_mem>>) src(%dma_wait3A_41 : memref<512xi32, #tpu.memory_space<hbm>>) dst(%arg6 : memref<512xi32, #tpu.memory_space<vmem>>)
      tpu.yield
    }) : () -> ()
    "tpu.region"() ({
      %run_scoped3A_39 = tpu.sem_alloc : memref<!tpu.dma_semaphore, #tpu.memory_space<semaphore_mem>>
      tpu.enqueue_dma source(%arg3 : memref<6144xf32, #tpu.memory_space<hbm>>) target(%arg7 : memref<6144xf32, #tpu.memory_space<vmem>>) target_semaphore(%run_scoped3A_39 : memref<!tpu.dma_semaphore, #tpu.memory_space<semaphore_mem>>)
      tpu.wait_dma2 semaphore(%run_scoped3A_39 : memref<!tpu.dma_semaphore, #tpu.memory_space<semaphore_mem>>) src(%arg3 : memref<6144xf32, #tpu.memory_space<hbm>>) dst(%arg7 : memref<6144xf32, #tpu.memory_space<vmem>>)
      tpu.yield
    }) : () -> ()
    "tpu.region"() ({
      %run_scoped3A_39 = tpu.sem_alloc : memref<!tpu.dma_semaphore, #tpu.memory_space<semaphore_mem>>
      tpu.enqueue_dma source(%arg4 : memref<6144xi32, #tpu.memory_space<hbm>>) target(%arg8 : memref<6144xi32, #tpu.memory_space<vmem>>) target_semaphore(%run_scoped3A_39 : memref<!tpu.dma_semaphore, #tpu.memory_space<semaphore_mem>>)
      tpu.wait_dma2 semaphore(%run_scoped3A_39 : memref<!tpu.dma_semaphore, #tpu.memory_space<semaphore_mem>>) src(%arg4 : memref<6144xi32, #tpu.memory_space<hbm>>) dst(%arg8 : memref<6144xi32, #tpu.memory_space<vmem>>)
      tpu.yield
    }) : () -> ()
    %scan3A = arith.constant 0 : i32
    %scan3A_3 = arith.constant 0 : i32
    %scan3A_4 = arith.constant 32 : i32
    %scan3A_5 = arith.addi %scan3A_3, %scan3A_4 : i32
    %scan3A_6 = arith.constant 1 : i32
    %scan3A_7 = scf.for %scan3A_39 = %scan3A_3 to %scan3A_5 step %scan3A_6 iter_args(%scan3A_40 = %scan3A) -> (i32)  : i32 {
      %mul3A_41 = arith.constant 16 : i32
      %mul3A_42 = arith.muli %scan3A_39, %mul3A_41 : i32
      %get3A = arith.index_cast %mul3A_42 : i32 to index
      %get3A_43 = tpu.vector_load %arg6[%get3A] {strides = array<i32>} : memref<512xi32, #tpu.memory_space<vmem>>, vector<16xi32>,
      %min3A = arith.constant 5531 : i32
      %min3A_44 = vector.broadcast %min3A : i32 to vector<16xi32>
      %min3A_45 = arith.minsi %get3A_43, %min3A_44 : vector<16xi32>
      %gather3A = tpu.vector_load_idx %arg7[%min3A_45] : memref<6144xf32, #tpu.memory_space<vmem>>[vector<16xi32>], vector<16xf32>,
      %gather3A_46 = tpu.vector_load_idx %arg8[%min3A_45] : memref<6144xi32, #tpu.memory_space<vmem>>[vector<16xi32>], vector<16xi32>,
      %lt3A_47 = arith.constant 5532 : i32
      %lt3A_48 = vector.broadcast %lt3A_47 : i32 to vector<16xi32>
      %lt3A_49 = arith.cmpi slt, %get3A_43, %lt3A_48 : vector<16xi32>
      %gt3A = arith.constant 2.000000e-01 : f32
      %gt3A_50 = vector.broadcast %gt3A : f32 to vector<16xf32>
      %gt3A_51 = arith.cmpf ogt, %gather3A, %gt3A_50 : vector<16xf32>
      %and3A_52 = arith.andi %lt3A_49, %gt3A_51 : vector<16xi1>
      %jit3A_53 = arith.constant -1 : i32
      %broadcast_in_dim3A = vector.broadcast %jit3A_53 : i32 to vector<16xi32>
      %select_n3A_54 = arith.select %and3A_52, %gather3A_46, %broadcast_in_dim3A : vector<16xi1>, vector<16xi32>
      %swap3A = arith.index_cast %mul3A_42 : i32 to index
      %swap3A_55 = tpu.vector_load %arg9[%swap3A] {strides = array<i32>} : memref<512xi32, #tpu.memory_space<vmem>>, vector<16xi32>,
      tpu.vector_store %arg9[%swap3A], %select_n3A_54 {strides = array<i32>} : memref<512xi32, #tpu.memory_space<vmem>>, vector<16xi32>,
      %scan3A_56 = arith.constant 0 : i32
      scf.yield %scan3A_56 : i32
    }
    %scan3A_8 = arith.constant 32 : i32
    %jit3A = arith.constant 512 : i32
    %div3A = arith.divsi %mul3A_2, %jit3A : i32
    %sign3A = arith.constant 0 : i32
    %sign3A_9 = arith.cmpi sgt, %mul3A_2, %sign3A : i32
    %sign3A_10 = arith.extui %sign3A_9 : i1 to i32
    %sign3A_11 = arith.constant 0 : i32
    %sign3A_12 = arith.cmpi slt, %mul3A_2, %sign3A_11 : i32
    %sign3A_13 = arith.extui %sign3A_12 : i1 to i32
    %sign3A_14 = arith.subi %sign3A_10, %sign3A_13 : i32
    %sign3A_15 = arith.constant 0 : i32
    %sign3A_16 = arith.cmpi sgt, %jit3A, %sign3A_15 : i32
    %sign3A_17 = arith.extui %sign3A_16 : i1 to i32
    %sign3A_18 = arith.constant 0 : i32
    %sign3A_19 = arith.cmpi slt, %jit3A, %sign3A_18 : i32
    %sign3A_20 = arith.extui %sign3A_19 : i1 to i32
    %sign3A_21 = arith.subi %sign3A_17, %sign3A_20 : i32
    %ne3A = arith.cmpi ne, %sign3A_14, %sign3A_21 : i32
    %rem3A = arith.remsi %mul3A_2, %jit3A : i32
    %ne3A_22 = arith.constant 0 : i32
    %ne3A_23 = arith.cmpi ne, %rem3A, %ne3A_22 : i32
    %and3A = arith.andi %ne3A, %ne3A_23 : i1
    %sub3A = arith.constant 1 : i32
    %sub3A_24 = arith.subi %div3A, %sub3A : i32
    %select_n3A = arith.select %and3A, %sub3A_24, %div3A : i32
    %jit3A_25 = arith.constant 512 : i32
    %eq3A = arith.constant 0 : i32
    %eq3A_26 = arith.cmpi eq, %jit3A_25, %eq3A : i32
    %jit3A_27 = arith.constant 1 : i32
    %select_n3A_28 = arith.select %eq3A_26, %jit3A_27, %jit3A_25 : i32
    %rem3A_29 = arith.remsi %mul3A_2, %select_n3A_28 : i32
    %ne3A_30 = arith.constant 0 : i32
    %ne3A_31 = arith.cmpi ne, %rem3A_29, %ne3A_30 : i32
    %lt3A = arith.constant 0 : i32
    %lt3A_32 = arith.cmpi slt, %rem3A_29, %lt3A : i32
    %lt3A_33 = arith.constant 0 : i32
    %lt3A_34 = arith.cmpi slt, %select_n3A_28, %lt3A_33 : i32
    %ne3A_35 = arith.xori %lt3A_32, %lt3A_34 : i1
    %and3A_36 = arith.andi %ne3A_35, %ne3A_31 : i1
    %add3A_37 = arith.addi %rem3A_29, %select_n3A_28 : i32
    %select_n3A_38 = arith.select %and3A_36, %add3A_37, %rem3A_29 : i32
    %run_scoped3A = arith.constant 0 : i32
    "tpu.region"() ({
      %run_scoped3A_39 = tpu.sem_alloc : memref<!tpu.dma_semaphore, #tpu.memory_space<semaphore_mem>>
      %dma_start3A = tpu.memref_slice %arg5[%select_n3A, %run_scoped3A, %select_n3A_38] : memref<32x1x512xi32, #tpu.memory_space<hbm>> -> memref<1x1x512xi32, #tpu.memory_space<hbm>>
      %dma_start3A_40 = tpu.memref_squeeze %dma_start3A : memref<1x1x512xi32, #tpu.memory_space<hbm>> -> memref<512xi32, #tpu.memory_space<hbm>>
      %dma_start3A_41 = tpu.memref_slice %arg5[%select_n3A, %run_scoped3A, %select_n3A_38] : memref<32x1x512xi32, #tpu.memory_space<hbm>> -> memref<1x1x512xi32, #tpu.memory_space<hbm>>
      %dma_start3A_42 = tpu.memref_squeeze %dma_start3A_41 : memref<1x1x512xi32, #tpu.memory_space<hbm>> -> memref<512xi32, #tpu.memory_space<hbm>>
      tpu.enqueue_dma source(%arg9 : memref<512xi32, #tpu.memory_space<vmem>>) target(%dma_start3A_42 : memref<512xi32, #tpu.memory_space<hbm>>) target_semaphore(%run_scoped3A_39 : memref<!tpu.dma_semaphore, #tpu.memory_space<semaphore_mem>>)
      %dma_wait3A = tpu.memref_slice %arg5[%select_n3A, %run_scoped3A, %select_n3A_38] : memref<32x1x512xi32, #tpu.memory_space<hbm>> -> memref<1x1x512xi32, #tpu.memory_space<hbm>>
      %dma_wait3A_43 = tpu.memref_squeeze %dma_wait3A : memref<1x1x512xi32, #tpu.memory_space<hbm>> -> memref<512xi32, #tpu.memory_space<hbm>>
      %dma_wait3A_44 = tpu.memref_slice %arg5[%select_n3A, %run_scoped3A, %select_n3A_38] : memref<32x1x512xi32, #tpu.memory_space<hbm>> -> memref<1x1x512xi32, #tpu.memory_space<hbm>>
      %dma_wait3A_45 = tpu.memref_squeeze %dma_wait3A_44 : memref<1x1x512xi32, #tpu.memory_space<hbm>> -> memref<512xi32, #tpu.memory_space<hbm>>
      tpu.wait_dma2 semaphore(%run_scoped3A_39 : memref<!tpu.dma_semaphore, #tpu.memory_space<semaphore_mem>>) src(%arg9 : memref<512xi32, #tpu.memory_space<vmem>>) dst(%dma_wait3A_45 : memref<512xi32, #tpu.memory_space<hbm>>)
      tpu.yield
    }) : () -> ()
    return
  }
}

</mosaic_0001>

<sc_bundles>
// kernel: _kill_cols.3.cloned.1.call-start
scs
__scs_entry_jumppad:
0x0: {  	(pc) =	sbr.rel $0x88, $3  }
0x1: {  	(tag) =	ssettag $0x0;
	lr =	simm.s32 $0x1  }
0x2: {  	[smem:$0x3F9E] =	sst lr;
	_ =	strace $0xD0000000  }
0x3: {  	_ = 	snop  }
0x4: {  	_ = 	snop  }
0x5: {  	_ = 	snop  }
0x6: {  	_ = 	snop  }
0x7: {  	_ = 	snop  }
__scs_overlays_trampoline_lowered:
0x8: {  	[smem:$0x3FAD] =	sst s0  }
0x9: {  	[smem:$0x3FAE] =	sst s1  }
0xa: {  	[smem:$0x3FAF] =	sst s2  }
0xb: {  	[smem:$0x3FB0] =	sst s3  }
0xc: {  	[smem:$0x3FB1] =	sst s4  }
0xd: {  	[smem:$0x3FB2] =	sst s5  }
0xe: {  	[smem:$0x3FB3] =	sst s6  }
0xf: {  	[smem:$0x3FB4] =	sst s7  }
0x10: {  	[smem:$0x3FB5] =	sst s8  }
0x11: {  	[smem:$0x3FB6] =	sst s9;
	s0 =	simm.s32 @!p0 $0x0  }
0x12: {  	s1 =	sld [smem:$0x3F9C];
	s0 =	simm.s32 @p0 $0x1  }
0x13: {  	[smem:$0x3FB7] =	sst s0;
	s0 =	simm.s32 @!p1 $0x0  }
0x14: {  	s2 =	sld [smem:$0x3F9B];
	s0 =	simm.s32 @p1 $0x1  }
0x15: {  	[smem:$0x3FB8] =	sst s0;
	s0 =	simm.s32 @!p2 $0x0  }
0x16: {  	s3 =	sld [smem:$0x3FDB];
	s0 =	simm.s32 @p2 $0x1  }
0x17: {  	s4 =	simm.s32 $0x1BF5;
	[smem:$0x3FBA] =	sst s0  }
0x18: {  	s0 =	sld [smem:$0x3F9D];
	_ =	swait.ge [sflag:s4], $0x0  }
0x19: {  	s7 =	sld [smem:$0x3F9E]  }
0x1a: {  	s8 =	sadd.s32 $0xFFFFE003, lr  }
0x1b: {  	s9 =	sadd.s32 $0xFFFFFEF7, lr;
	s5 =	simm.s32 $0xFFFFFFFF;
	p2 =	slt.u32 s8, $0xFFFFF086  }
0x1c: {  	p1 =	slt.u32 s9, $0xF7A;
	s5 =	simm.s32 @!p2 $0x0  }
0x1d: {  	s5 =	simm.s32 @p1 $0x1;
	p0 =	seq.s32 s7, s2  }
0x1e: {  	s7 =	smul.u32 @!p0 $0xF7A, s2;
	p2 =	seq.s32 @!p0 s5, $0x0  }
0x1f: {  	s9 =	smul.u32 $0xF7A, s1;
	s8 =	simm.s32 @!p0 $0x1BF5;
	p2 =	por !p2, p0  }
0x20: {  	[sflag:s8] =	ssyncset.s32 @!p0 $0xFFFFF086;
	s6 =	sadd.s32 @!p0 s3, s7;
	s7 =	simm.s32 @!p0 $0x108  }
0x21: {  	s3 =	sadd.s32 s3, s9;
	s6 =	sadd.s32 @!p0 $0x88, s6;
	s7 =	simm.s32 @p2 $0x1082  }
0x22: {  	[simem:s7], [sflag:s8] =	dma.local @!p0 [hbm:s6], $0xF7A  }
0x23: {  	s9 =	sor.u32 $0xD0000000, s2;
	s6 =	simm.s32 $0x108;
	_ =	swait.ge @!p0 [sflag:s8], $0x0  }
0x24: {  	s3 =	sadd.s32 $0x88, s3;
	s6 =	simm.s32 @!p1 $0x1082;
	[sflag:s4] =	ssyncset.s32 $0xFFFFF086  }
0x25: {  	[simem:s6], [sflag:s4] =	dma.local [hbm:s3], $0xF7A  }
0x26: {  	[smem:$0x3F9E] =	sst s1;
	(tag) =	ssettag s2;
	_ =	strace s9  }
0x27: {  	s1 =	sld [smem:$0x3FAE]  }
0x28: {  	s2 =	sld [smem:$0x3FAF]  }
0x29: {  	s4 =	sld [smem:$0x3FB1]  }
0x2a: {  	p0 =	seq.s32 s5, $0x0;
	s5 =	sld [smem:$0x3FB2]  }
0x2b: {  	s6 =	sld [smem:$0x3FB3]  }
0x2c: {  	s7 =	sld [smem:$0x3FB4]  }
0x2d: {  	s3 =	simm.s32 $0x108;
	s8 =	sld [smem:$0x3FB5]  }
0x2e: {  	s3 =	simm.s32 @!p0 $0x1082;
	s9 =	sld [smem:$0x3FB6]  }
0x2f: {  	lr =	sadd.s32 s0, s3;
	s0 =	sld [smem:$0x3FAD]  }
0x30: {  	s3 =	sld [smem:$0x3FB0]  }
0x31: {  	[smem:$0x3FB9] =	sst s10  }
0x32: {  	s10 =	sld [smem:$0x3FB7];
	_ =	sdelay $0x3  }
0x33: {  	p0 =	seq.s32 s10, $0x1;
	s10 =	sld [smem:$0x3FB9];
	_ =	sdelay $0x3  }
0x34: {  	[smem:$0x3FB9] =	sst s10  }
0x35: {  	s10 =	sld [smem:$0x3FB8];
	_ =	sdelay $0x3  }
0x36: {  	p1 =	seq.s32 s10, $0x1;
	s10 =	sld [smem:$0x3FB9];
	_ =	sdelay $0x3  }
0x37: {  	[smem:$0x3FB9] =	sst s10  }
0x38: {  	s10 =	sld [smem:$0x3FBA]  }
0x39: {  	_ = 	snop;
	(pc) =	sbr.ind lr, $3  }
0x3a: {  	_ = 	snop  }
0x3b: {  	_ = 	snop  }
0x3c: {  	p2 =	seq.s32 s10, $0x1;
	s10 =	sld [smem:$0x3FB9]  }
0x3d: {  	_ =	shalt  }
0x3e: {  	_ =	shalt  }
0x3f: {  	_ =	shalt  }
0x40: {  	_ =	shalt  }
0x41: {  	_ =	shalt  }
0x42: {  	_ =	shalt  }
0x43: {  	_ =	shalt  }
0x44: {  	_ =	shalt  }
0x45: {  	_ =	shalt  }
0x46: {  	_ =	shalt  }
0x47: {  	_ =	shalt  }
0x48: {  	_ =	shalt  }
0x49: {  	_ =	shalt  }
0x4a: {  	_ =	shalt  }
0x4b: {  	_ =	shalt  }
0x4c: {  	_ =	shalt  }
0x4d: {  	_ =	shalt  }
0x4e: {  	_ =	shalt  }
0x4f: {  	_ =	shalt  }
0x50: {  	_ =	shalt  }
0x51: {  	_ =	shalt  }
0x52: {  	_ =	shalt  }
0x53: {  	_ =	shalt  }
0x54: {  	_ =	shalt  }
0x55: {  	_ =	shalt  }
0x56: {  	_ =	shalt  }
0x57: {  	_ =	shalt  }
0x58: {  	_ =	shalt  }
0x59: {  	_ =	shalt  }
0x5a: {  	_ =	shalt  }
0x5b: {  	_ =	shalt  }
0x5c: {  	_ =	shalt  }
0x5d: {  	_ =	shalt  }
0x5e: {  	_ =	shalt  }
0x5f: {  	_ =	shalt  }
0x60: {  	_ =	shalt  }
0x61: {  	_ =	shalt  }
0x62: {  	_ =	shalt  }
0x63: {  	_ =	shalt  }
0x64: {  	_ =	shalt  }
0x65: {  	_ =	shalt  }
0x66: {  	_ =	shalt  }
0x67: {  	_ =	shalt  }
0x68: {  	_ =	shalt  }
0x69: {  	_ =	shalt  }
0x6a: {  	_ =	shalt  }
0x6b: {  	_ =	shalt  }
0x6c: {  	_ =	shalt  }
0x6d: {  	_ =	shalt  }
0x6e: {  	_ =	shalt  }
0x6f: {  	_ =	shalt  }
0x70: {  	_ =	shalt  }
0x71: {  	_ =	shalt  }
0x72: {  	_ =	shalt  }
0x73: {  	_ =	shalt  }
0x74: {  	_ =	shalt  }
0x75: {  	_ =	shalt  }
0x76: {  	_ =	shalt  }
0x77: {  	_ =	shalt  }
0x78: {  	_ =	shalt  }
0x79: {  	_ =	shalt  }
0x7a: {  	_ =	shalt  }
0x7b: {  	_ =	shalt  }
0x7c: {  	_ =	shalt  }
0x7d: {  	_ =	shalt  }
0x7e: {  	_ =	shalt  }
0x7f: {  	_ =	shalt  }
0x80: {  	_ =	shalt  }
0x81: {  	_ =	shalt  }
0x82: {  	_ =	shalt  }
0x83: {  	_ =	shalt  }
0x84: {  	_ =	shalt  }
0x85: {  	_ =	shalt  }
0x86: {  	_ =	shalt  }
0x87: {  	_ =	shalt  }
.Lfunc_end0:
.L_simem_size_0:
called_computation_lowered:
.L_overlay_start_0:
0x88: {  	s2 =	sld [smem:$0x3FD9]  }
0x89: {  	s3 =	sld [smem:$0x3FFE];
	_ =	sdelay $0x1  }
0x8a: {  	s1 =	srdreg.scid  }
0x8b: {  	s0 =	sand.u32 $0x1, s1  }
0x8c: {  	s18 =	sshll.u32 s0, $0xA;
	s2 =	sadd.s32 s3, s2  }
0x8d: {  	s2 =	sadd.s32 s2, s18  }
0x8e: {  	[smem:$0x3FC5] =	sst s2  }
0x8f: {  	_ = 	snop  }
0x90: {  	s2 =	sld [smem:$0x3FC9]  }
0x91: {  	s19 =	sld [smem:$0x3FC8]  }
0x92: {  	s4 =	sld [smem:$0x3FC7]  }
0x93: {  	s5 =	sld [smem:$0x3FD0];
	(tm) =	ssettm $0x1  }
0x94: {  	s6 =	sld [smem:$0x3FFB];
	_ =	sdelay $0x3  }
0x95: {  	_ =	strace s6  }
0x96: {  	s6 =	sld [smem:$0x3FFC];
	_ =	sdelay $0x3  }
0x97: {  	_ =	strace s6  }
0x98: {  	s6 =	sld [smem:$0x3FFD];
	_ =	sdelay $0x3  }
0x99: {  	_ =	strace s6  }
0x9a: {  	_ =	strace $0x8FFFFFFF  }
0x9b: {  	s20 =	sld [smem:$0x3FDB];
	_ =	sdelay $0x1  }
0x9c: {  	s7 =	simm.s32 $_scs_section_size  }
0x9d: {  	s8 =	simm.s32 $_size__tile_overlayer_lowered;
	s9 =	simm.s32 $_tile_overlayer_lowered  }
0x9e: {  	s23 =	simm.s32 $0x1BFF;
	s22 =	sshll.u32 s9, $0x1;
	s6 =	sadd.s32 s7, s20  }
0x9f: {  	s10 =	simm.s32 $0x0;
	s21 =	sshll.u32 s8, $0x1;
	s8 =	sadd.s32 s22, s6  }
0xa0: {  	[timem:s10], [sflag:s23] =	dma.local [hbm:s8], s21  }
0xa1: {  	_ =	swait.ge [sflag:s23], s21  }
0xa2: {  	s7 =	ssub.s32 $0x0, s21;
	[sflag:s23] =	ssyncset.done $0x0  }
0xa3: {  	[sflag:s23] =	ssyncadd.s32 s7;
	_ =	sdelay $0x1  }
0xa4: {  	s24 =	simm.s32 $0x1B8B  }
0xa5: {  	_ =	swait.ge [sflag:s24], $0x1  }
0xa6: {  	[sflag:s24] =	ssyncset.done $0x0  }
0xa7: {  	s25 =	simm.s32 $0x1B8E;
	[sflag:s24] =	ssyncadd.s32 $0xFFFFFFFF  }
0xa8: {  	s26 =	simm.s32 $execute0_lowered;
	[smem:$0x3FD2] =	sst s25  }
0xa9: {  	s7 =	sshll.u32 s26, $0x1;
	_ =	strace $0x80000046;
	[dreg:$0x1] =	wrdreg $0xFFFFFFFF  }
0xaa: {  	s28 =	simm.s32 $_size_execute0_lowered;
	s6 =	sadd.s32 s6, s7;
	[dreg:$0x0] =	wrdreg $0x0  }
0xab: {  	s7 =	sshll.u32 s28, $0x1;
	[dreg:$0x2] =	wrdreg s6  }
0xac: {  	[dreg:$0x3] =	wrdreg s7  }
0xad: {  	[dreg:$0x4] =	wrdreg $0xC0  }
0xae: {  	_ =	task [dreg:s10], $0x5FFFF  }
0xaf: {  	[dreg:$0x1] =	wrdreg $0xFFFFFFFF  }
0xb0: {  	[dreg:$0x0] =	wrdreg $0x60  }
0xb1: {  	[dreg:$0x2] =	wrdreg s2  }
0xb2: {  	[dreg:$0x3] =	wrdreg s19  }
0xb3: {  	[dreg:$0x4] =	wrdreg s4  }
0xb4: {  	[dreg:$0x5] =	wrdreg s5  }
0xb5: {  	[dreg:$0x6] =	wrdreg $0x9  }
0xb6: {  	_ =	task.clear_ibuf [dreg:s10], $0x7FFFF;
	_ =	strace $0x90000046  }
0xb7: {  	s29 =	simm.s32 $0x9;
	_ =	strace $0x80000048  }
0xb8: {  	_ =	swait.ge [sflag:s29], $0x1  }
0xb9: {  	[sflag:s29] =	ssyncadd.s32 $0xFFFFFFFF  }
0xba: {  	_ =	strace $0x90000048  }
0xbb: {  	_ =	sfence  }
0xbc: {  	s30 =	sld [smem:$0x0];
	_ =	sdelay $0x2  }
0xbd: {  	s31 =	sshll.u32 s1, $0xD;
	s1 =	sshrl.u32 s1, $0x2  }
0xbe: {  	s3 =	sand.u32 $0x4000, s31;
	s1 =	sadd.s32 s1, s30  }
0xbf: {  	s0 =	sor.u32 s3, s0;
	s1 =	sshll.u32 s1, $0x11  }
0xc0: {  	s0 =	sor.u32 s1, s0  }
0xc1: {  	s0 =	sadd.s32 $0x8F2B, s0  }
0xc2: {  	[sflag:s0] =	ssyncadd.remote.s32 $0x1  }
0xc3: {  	_ =	sfence.sel $0xFFFF  }
0xc4: {  	[dreg:$0x0] =	wrdreg $0xFFFFFFFF;
	(pc) =	sbr.abs _section_cstart, $3  }
0xc5: {  	[dreg:$0x1] =	wrdreg $0xFFFFFFFF  }
0xc6: {  	_ =	task.clear_ibuf [dreg:s10], $0x2FFFF;
	_ =	strace $0x9FFFFFFF  }
0xc7: {  	(tm) =	ssettm $0x7FFFFFFF  }
tec
execute0_lowered:
.L_overlay_start_1:
0x0: {  	(tag) =	ssettag $0x1  }
0x1: {  	s5 =	rddreg [dreg:$0x0]  }
0x2: {  	s1 =	rddreg [dreg:$0x1]  }
0x3: {  	s2 =	rddreg [dreg:$0x2]  }
0x4: {  	s6 =	rddreg [dreg:$0x3]  }
0x5: {  	s0 =	rddreg [dreg:$0x4];
	s4 =	simm.s32 $0x0;
	s7 =	srdreg.scid  }
0x6: {  	s3 =	stileid.u32;
	s11 =	simm.s32 $0x3200;
	s12 =	simm.s32 $0x0  }
0x7: {  	[smem:$0x7FF] =	sst s4;
	s7 =	sand.u32 $0x1, s7;
	s9 =	sshll.u32 s3, $0x7  }
0x8: {  	s8 =	ssub.s32 $0x2, s7;
	s7 =	sshll.u32 s7, $0x6;
	_ =	strace $0x80000047  }
0x9: {  	s10 =	sshrl.u32 s8, $0x1;
	s7 =	sor.u32 s7, s9;
	s9 =	simm.s32 $0x200  }
0xa: {  	s8 =	ssub.s32 s8, s10;
	s5 =	sadd.s32 s5, s7;
	s6 =	sadd.s32 s6, s7  }
0xb: {  	s10 =	simm.s32 $0x1A00;
	s7 =	smax.u32 s8, $0x1;
	s8 =	simm.s32 $0x1  }
.LBB2_1:
0xc: {  	[tilespmem:s4], [sflag:$0x1] =	stream.linear.gather [hbm4b:s5+s4], $0x200, $0x38;
	[tilespmem:$0x3400] =	vst v63  }
0xd: {  	_ =	swait.ge [sflag:s8], $0x200  }
0xe: {  	[sflag:s8] =	ssyncset.done $0x0  }
0xf: {  	[sflag:s8] =	ssyncadd.s32 $0xFFFFFE00  }
0x10: {  	[tilespmem:s9], [sflag:$0x1] =	stream.linear.gather [hbm4b:s1+s4], $0x1800, $0x38;
	[tilespmem:$0x3400] =	vst v63  }
0x11: {  	_ =	swait.ge [sflag:s8], $0x1800  }
0x12: {  	[sflag:s8] =	ssyncset.done $0x0  }
0x13: {  	[sflag:s8] =	ssyncadd.s32 $0xFFFFE800  }
0x14: {  	[tilespmem:s10], [sflag:$0x1] =	stream.linear.gather [hbm4b:s2+s4], $0x1800, $0x38;
	[tilespmem:$0x3400] =	vst v63  }
0x15: {  	_ =	swait.ge [sflag:s8], $0x1800  }
0x16: {  	[sflag:s8] =	ssyncset.done $0x0  }
0x17: {  	s14 =	simm.s32 $0x0;
	[sflag:s8] =	ssyncadd.s32 $0xFFFFE800  }
0x18: {  	v1 =	vld [tilespmem:s14+$0x0];
	_ =	sdelay $0x4  }
0x19: {  	vm0 =	vlt.s32 v1, $0x159B  }
0x1a: {  	v2 =	vnsel vm0, $0x159B, v1;
	_ =	sdelay $0x1  }
0x1b: {  	s13 =	simm.s32 $0x10  }
0x1c: {  	v0 =	vld [tilespmem:s13+$0x0];
	_ =	sdelay $0x1  }
0x1d: {  	v3 =	vld.idx.msk [tilespmem:v2+s9+$0x0], $0xffff;
	_ =	sdelay $0x1  }
0x1e: {  	v2 =	vld.idx.msk [tilespmem:v2+s10+$0x0], $0xffff  }
0x1f: {  	vm15 =	vlt.s32 v0, $0x159B  }
0x20: {  	vm14 =	vlt.s32 v1, $0x159C;
	v1 =	vnsel vm15, $0x159B, v0  }
0x21: {  	vm1 =	vgt.f32 v3, $2.000000030e-01  }
0x22: {  	vm0 =	vmand vm14, vm1  }
0x23: {  	s15 =	simm.s32 $0x20;
	s16 =	simm.s32 $0xC0;
	v2 =	vnsel vm0, $0xFFFFFFFF, v2  }
.LBB2_2:
0x24: {  	p0 =	sne.s32 s16, $0x7C0;
	v3 =	vld [tilespmem:s15+$0x0];
	[tilespmem:s14+$0x3200] =	vst v2;
	s14 =	smov.u32 s13;
	s13 =	smov.u32 s15  }
0x25: {  	v2 =	vld.idx.msk [tilespmem:v1+s9+$0x0], $0xffff;
	_ =	sdelay $0x1  }
0x26: {  	v4 =	vld.idx.msk [tilespmem:v1+s10+$0x0], $0xffff;
	_ =	sdelay $0x1  }
.Ltmp0:
0x27: {  	vm0 =	vlt.s32 v3, $0x159B;
	(pc) =	sbr.rel @p0 .LBB2_2-.Ltmp0, $4  }
0x28: {  	v1 =	vnsel vm0, $0x159B, v3  }
0x29: {  	vm0 =	vlt.s32 v0, $0x159C;
	vm1 =	vgt.f32 v2, $2.000000030e-01;
	v0 =	vmov v3  }
0x2a: {  	vm0 =	vmand vm0, vm1  }
0x2b: {  	s15 =	sshra.s32 s16, $0x2;
	s16 =	sadd.s32 $0x40, s16;
	v2 =	vnsel vm0, $0xFFFFFFFF, v4  }
0x2c: {  	_ =	sdelay $0x1  }
0x2d: {  	v3 =	vld [tilespmem:s15+$0x0]  }
0x2e: {  	[tilespmem:s14+$0x3200] =	vst v2  }
0x2f: {  	v2 =	vld.idx.msk [tilespmem:v1+s9+$0x0], $0xffff;
	_ =	sdelay $0x1  }
0x30: {  	v60 =	vld.idx.msk [tilespmem:v1+s10+$0x0], $0xffff  }
0x31: {  	vm0 =	vlt.s32 v3, $0x159B  }
0x32: {  	v4 =	vnsel vm0, $0x159B, v3  }
0x33: {  	vm13 =	vlt.s32 v0, $0x159C;
	vm1 =	vgt.f32 v2, $2.000000030e-01  }
0x34: {  	vm0 =	vmand vm13, vm1  }
0x35: {  	v61 =	vnsel vm0, $0xFFFFFFFF, v60  }
0x36: {  	[tilespmem:s13+$0x3200] =	vst v61  }
0x37: {  	v0 =	vld.idx.msk [tilespmem:v4+s9+$0x0], $0xffff;
	_ =	sdelay $0x1  }
0x38: {  	v62 =	vld.idx.msk [tilespmem:v4+s10+$0x0], $0xffff;
	_ =	sdelay $0x2  }
0x39: {  	vm14 =	vlt.s32 v3, $0x159C;
	vm15 =	vgt.f32 v0, $2.000000030e-01  }
0x3a: {  	s12 =	sadd.s32 $0x1, s12;
	vm0 =	vmand vm14, vm15  }
0x3b: {  	p0 =	sne.s32 s12, s7;
	v63 =	vnsel vm0, $0xFFFFFFFF, v62  }
.Ltmp1:
0x3c: {  	[tilespmem:s15+$0x3200] =	vst v63;
	(pc) =	sbr.rel @p0 .LBB2_1-.Ltmp1, $4  }
0x3d: {  	[hbm4b:s6+s4] =	stream.linear.scatter [tilespmem:s11], [sflag:$0x1], $0x200, $0x38;
	[tilespmem:$0x3400] =	vst v63  }
0x3e: {  	_ =	swait.ge [sflag:s8], $0x200  }
0x3f: {  	[sflag:s8] =	ssyncset.done $0x0  }
0x40: {  	[sflag:s8] =	ssyncadd.s32 $0xFFFFFE00  }
0x41: {  	_ =	sfence.sel $0x180000  }
0x42: {  	[bflag:$0x0] =	sbarrier.arrive $0xFFFF  }
0x43: {  	p0 =	sne.s32 s3, $0x0;
	_ =	strace $0x90000047  }
0x44: {  	s0 =	sadd.s32 @!p0 $0x100000, s0;
	[bflag:$0x2] =	sbarrier.arrive $0xFFFF  }
0x45: {  	[sflag:s0] =	ssyncadd.tile.s32 @!p0 $0x1;
	_ =	shalt  }
.Lfunc_end2:
_tile_overlayer_lowered:
.L_overlay_start_2:
0x46: {  	(tag) =	ssettag $0x2  }
0x47: {  	s0 =	rddreg [dreg:$0x0];
	s2 =	stileid.u32  }
0x48: {  	s1 =	rddreg [dreg:$0x1];
	p0 =	sne.s32 s2, $0x0  }
0x49: {  	s3 =	rddreg [dreg:$0x2];
	[bflag:$0x3] =	sbarrier.arrive $0xFFFF;
	s2 =	simm.s32 @!p0 $0x1C01  }
0x4a: {  	[timem:s3], [sflag:s2] =	dma.local @!p0 [hbm:s0], s1  }
0x4b: {  	s0 =	simm.s32 @!p0 $0x1  }
0x4c: {  	_ =	swait.ge @!p0 [sflag:s0], s1  }
0x4d: {  	s1 =	ssub.s32 @!p0 $0x0, s1;
	[sflag:s0] =	ssyncset.done @!p0 $0x0  }
0x4e: {  	[sflag:s0] =	ssyncadd.s32 @!p0 s1  }
0x4f: {  	[bflag:$0x3] =	sbarrier.arrive $0xFFFF  }
0x50: {  	_ =	shalt  }

</sc_bundles>
